<compile_context>
chip_gen: v7x
topology: tpu7x:2x2x1
jax: 0.10.2.dev20260603
libtpu: 0.0.44.dev20260713+nightly
codegen_flags: <defaults>
</compile_context>

<pallas_src>
import jax
import jax.numpy as jnp
from jax import lax
from jax.experimental import pallas as pl
from jax.experimental.pallas import tpu as pltpu
from jax.experimental.pallas import tpu_sc as plsc

VOCAB = 100000
HIDDEN = 64
B = 4096
C = 50
T = 50

NC = 2
NS = 16
NW = NC * NS
BPW = B // NW
NP = BPW // 2

CP = 56
TP = 56
TG = 4
TPAD = TG * 16
CP2 = 2 * CP
TP2 = 2 * TP
TROWS = TP + TPAD
NBUF = 4


def _cbow_body(ctx_hbm, tid_hbm, in_emb_hbm, out_emb_hbm, y_hbm,
               ctx_v, tid_v, cr0, cr1, cr2, cr3, tr0, tr1, tr2, tr3, out_v,
               sem_i, sem_c0, sem_c1, sem_c2, sem_c3,
               sem_t0, sem_t1, sem_t2, sem_t3, sem_out):
    wid = lax.axis_index("s") * NC + lax.axis_index("c")
    base = wid * BPW
    crs = [cr0, cr1, cr2, cr3]
    trs = [tr0, tr1, tr2, tr3]
    scs = [sem_c0, sem_c1, sem_c2, sem_c3]
    sts = [sem_t0, sem_t1, sem_t2, sem_t3]

    pltpu.async_copy(ctx_hbm.at[pl.ds(wid * NP, NP)], ctx_v, sem_i)
    pltpu.async_copy(tid_hbm.at[pl.ds(wid * NP, NP)], tid_v, sem_i)
    pltpu.make_async_copy(ctx_hbm.at[pl.ds(wid * NP, NP)], ctx_v, sem_i).wait()
    pltpu.make_async_copy(tid_hbm.at[pl.ds(wid * NP, NP)], tid_v, sem_i).wait()

    def fire(p, q):
        pltpu.async_copy(in_emb_hbm.at[ctx_v.at[p]], crs[q], scs[q])
        pltpu.async_copy(out_emb_hbm.at[tid_v.at[p]],
                         trs[q].at[pl.ds(0, TP2)], sts[q])

    def drain(p, q):
        pltpu.make_async_copy(in_emb_hbm.at[ctx_v.at[p]], crs[q], scs[q]).wait()
        pltpu.make_async_copy(out_emb_hbm.at[tid_v.at[p]],
                              trs[q].at[pl.ds(0, TP2)], sts[q]).wait()

    def wave(w, carry):
        p0 = NBUF * w
        for q in range(NBUF):
            fire(p0 + q, q)
        for q in range(NBUF):
            drain(p0 + q, q)
        return carry

    lax.fori_loop(0, NP // NBUF, wave, 0)

    pltpu.async_copy(out_v, y_hbm.at[pl.ds(base, BPW)], sem_out)
    pltpu.make_async_copy(out_v, y_hbm.at[pl.ds(base, BPW)], sem_out).wait()


@jax.jit
def _cbow_sc(ctx_pad, tid_pad, in_emb, out_emb):
    mesh = plsc.VectorSubcoreMesh(core_axis_name="c", subcore_axis_name="s")
    f = pl.kernel(
        _cbow_body,
        out_type=jax.ShapeDtypeStruct((B, TPAD), jnp.float32),
        mesh=mesh,
        scratch_types=[
            pltpu.VMEM((NP, CP2), jnp.int32),
            pltpu.VMEM((NP, TP2), jnp.int32),
            pltpu.VMEM((CP2, HIDDEN), jnp.float32),
            pltpu.VMEM((CP2, HIDDEN), jnp.float32),
            pltpu.VMEM((CP2, HIDDEN), jnp.float32),
            pltpu.VMEM((CP2, HIDDEN), jnp.float32),
            pltpu.VMEM((TROWS, HIDDEN), jnp.float32),
            pltpu.VMEM((TROWS, HIDDEN), jnp.float32),
            pltpu.VMEM((TROWS, HIDDEN), jnp.float32),
            pltpu.VMEM((TROWS, HIDDEN), jnp.float32),
            pltpu.VMEM((BPW, TPAD), jnp.float32),
            pltpu.SemaphoreType.DMA,
            pltpu.SemaphoreType.DMA,
            pltpu.SemaphoreType.DMA,
            pltpu.SemaphoreType.DMA,
            pltpu.SemaphoreType.DMA,
            pltpu.SemaphoreType.DMA,
            pltpu.SemaphoreType.DMA,
            pltpu.SemaphoreType.DMA,
            pltpu.SemaphoreType.DMA,
            pltpu.SemaphoreType.DMA,
        ],
        compiler_params=pltpu.CompilerParams(use_tc_tiling_on_sc=False),
    )
    return f(ctx_pad, tid_pad, in_emb, out_emb)


def kernel(contexts, t, in_emb, out_emb):
    contexts = contexts.astype(jnp.int32)
    t = t.astype(jnp.int32)
    ctx_pad = jnp.pad(contexts, ((0, 0), (0, CP - C))).reshape(B // 2, CP2)
    tid_pad = jnp.pad(t, ((0, 0), (0, TP - T))).reshape(B // 2, TP2)
    y = _cbow_sc(ctx_pad, tid_pad, in_emb, out_emb)
    return y[:, :T].reshape(B, 1, T)

# --- scband reference (transcript-rebuilt; emitter-appended) ---
"""Pipeline reference for scband-cbow-model-24773371363971 (READ-ONLY COPY).

The authoritative reference and input builder live on the scoring server;
editing this copy changes nothing except your own understanding.
"""

import jax, jax.numpy as jnp
import numpy as np

VOCAB = 100000
HIDDEN = 64
B = 4096
C = 50
T = 50

def setup_inputs(seed: int = 0) -> dict:
    key = jax.random.key(seed)
    k1, k2, k3, k4 = jax.random.split(key, 4)
    contexts = jax.random.randint(k1, (B, C), 0, VOCAB, dtype=jnp.int64 if jax.config.jax_enable_x64 else jnp.int32)
    t = jax.random.randint(k2, (B, T), 0, VOCAB, dtype=jnp.int64 if jax.config.jax_enable_x64 else jnp.int32)
    in_emb = jax.random.normal(k3, (VOCAB, HIDDEN), dtype=jnp.float32)
    out_emb = jax.random.normal(k4, (VOCAB, HIDDEN), dtype=jnp.float32)
    return {"contexts": contexts, "t": t, "in_emb": in_emb, "out_emb": out_emb}

def reference(contexts, t, in_emb, out_emb):
    # con_emb = self.in_emb(contexts).sum(dim=1, keepdim=True)  -> [B, 1, H]
    con_emb = jnp.take(in_emb, contexts, axis=0).sum(axis=1, keepdims=True)
    # target_emb = self.out_emb(t).transpose(2, 1)              -> [B, H, T]
    target_emb = jnp.swapaxes(jnp.take(out_emb, t, axis=0), 2, 1)
    # y = con_emb.matmul(target_emb)                            -> [B, 1, T]
    y = jnp.matmul(con_emb, target_emb)
    return y

if __name__ == "__main__":
    import jax
    _d = setup_inputs()
    print(jax.jit(kernel)(*tuple(_d.values())))

</pallas_src>

<mosaic_0001>
#map = affine_map<(d0, d1) -> (0, 0)>
module attributes {stable_mosaic.version = 14 : i64} {
  func.func @_cbow_body(%arg0: i32, %arg1: i32, %arg2: memref<2048x112xi32, #tpu.memory_space<hbm>>, %arg3: memref<2048x112xi32, #tpu.memory_space<hbm>>, %arg4: memref<100000x64xf32, #tpu.memory_space<hbm>>, %arg5: memref<100000x64xf32, #tpu.memory_space<hbm>>, %arg6: memref<4096x64xf32, #tpu.memory_space<hbm>>, %arg7: memref<64x112xi32, #tpu.memory_space<vmem>>, %arg8: memref<64x112xi32, #tpu.memory_space<vmem>>, %arg9: memref<112x64xf32, #tpu.memory_space<vmem>>, %arg10: memref<112x64xf32, #tpu.memory_space<vmem>>, %arg11: memref<112x64xf32, #tpu.memory_space<vmem>>, %arg12: memref<112x64xf32, #tpu.memory_space<vmem>>, %arg13: memref<120x64xf32, #tpu.memory_space<vmem>>, %arg14: memref<120x64xf32, #tpu.memory_space<vmem>>, %arg15: memref<120x64xf32, #tpu.memory_space<vmem>>, %arg16: memref<120x64xf32, #tpu.memory_space<vmem>>, %arg17: memref<128x64xf32, #tpu.memory_space<vmem>>, %arg18: memref<!tpu.dma_semaphore, #tpu.memory_space<semaphore_mem>>, %arg19: memref<!tpu.dma_semaphore, #tpu.memory_space<semaphore_mem>>, %arg20: memref<!tpu.dma_semaphore, #tpu.memory_space<semaphore_mem>>, %arg21: memref<!tpu.dma_semaphore, #tpu.memory_space<semaphore_mem>>, %arg22: memref<!tpu.dma_semaphore, #tpu.memory_space<semaphore_mem>>, %arg23: memref<!tpu.dma_semaphore, #tpu.memory_space<semaphore_mem>>, %arg24: memref<!tpu.dma_semaphore, #tpu.memory_space<semaphore_mem>>, %arg25: memref<!tpu.dma_semaphore, #tpu.memory_space<semaphore_mem>>, %arg26: memref<!tpu.dma_semaphore, #tpu.memory_space<semaphore_mem>>, %arg27: memref<!tpu.dma_semaphore, #tpu.memory_space<semaphore_mem>>) attributes {dimension_semantics = [#tpu.dimension_semantics<core_parallel>, #tpu.dimension_semantics<subcore_parallel>], iteration_bounds = array<i64: 2, 16>, scalar_prefetch = 0 : i64, scratch_operands = 21 : i64, tpu.core_type = #tpu.core_type<sc_vector_subcore>, window_params = [{transform_indices = #map}, {transform_indices = #map}, {transform_indices = #map}, {transform_indices = #map}, {transform_indices = #map}]} {
    %mul3A = arith.constant 2 : i32
    %mul3A_0 = arith.muli %arg1, %mul3A : i32
    %add3A = arith.addi %mul3A_0, %arg0 : i32
    %mul3A_1 = arith.constant 128 : i32
    %mul3A_2 = arith.muli %add3A, %mul3A_1 : i32
    %mul3A_3 = arith.constant 64 : i32
    %mul3A_4 = arith.muli %add3A, %mul3A_3 : i32
    %dma_start3A = arith.constant 0 : i32
    %dma_start3A_5 = tpu.memref_slice %arg2[%mul3A_4, %dma_start3A] : memref<2048x112xi32, #tpu.memory_space<hbm>> -> memref<64x112xi32, #tpu.memory_space<hbm>>
    %dma_start3A_6 = arith.constant 0 : i32
    %dma_start3A_7 = tpu.memref_slice %arg2[%mul3A_4, %dma_start3A_6] : memref<2048x112xi32, #tpu.memory_space<hbm>> -> memref<64x112xi32, #tpu.memory_space<hbm>>
    tpu.enqueue_dma source(%dma_start3A_7 : memref<64x112xi32, #tpu.memory_space<hbm>>) target(%arg7 : memref<64x112xi32, #tpu.memory_space<vmem>>) target_semaphore(%arg18 : memref<!tpu.dma_semaphore, #tpu.memory_space<semaphore_mem>>)
    %mul3A_8 = arith.constant 64 : i32
    %mul3A_9 = arith.muli %add3A, %mul3A_8 : i32
    %dma_start3A_10 = arith.constant 0 : i32
    %dma_start3A_11 = tpu.memref_slice %arg3[%mul3A_9, %dma_start3A_10] : memref<2048x112xi32, #tpu.memory_space<hbm>> -> memref<64x112xi32, #tpu.memory_space<hbm>>
    %dma_start3A_12 = arith.constant 0 : i32
    %dma_start3A_13 = tpu.memref_slice %arg3[%mul3A_9, %dma_start3A_12] : memref<2048x112xi32, #tpu.memory_space<hbm>> -> memref<64x112xi32, #tpu.memory_space<hbm>>
    tpu.enqueue_dma source(%dma_start3A_13 : memref<64x112xi32, #tpu.memory_space<hbm>>) target(%arg8 : memref<64x112xi32, #tpu.memory_space<vmem>>) target_semaphore(%arg18 : memref<!tpu.dma_semaphore, #tpu.memory_space<semaphore_mem>>)
    %mul3A_14 = arith.constant 64 : i32
    %mul3A_15 = arith.muli %add3A, %mul3A_14 : i32
    %dma_wait3A = arith.constant 0 : i32
    %dma_wait3A_16 = tpu.memref_slice %arg2[%mul3A_15, %dma_wait3A] : memref<2048x112xi32, #tpu.memory_space<hbm>> -> memref<64x112xi32, #tpu.memory_space<hbm>>
    %dma_wait3A_17 = arith.constant 0 : i32
    %dma_wait3A_18 = tpu.memref_slice %arg2[%mul3A_15, %dma_wait3A_17] : memref<2048x112xi32, #tpu.memory_space<hbm>> -> memref<64x112xi32, #tpu.memory_space<hbm>>
    tpu.wait_dma2 semaphore(%arg18 : memref<!tpu.dma_semaphore, #tpu.memory_space<semaphore_mem>>) src(%dma_wait3A_18 : memref<64x112xi32, #tpu.memory_space<hbm>>) dst(%arg7 : memref<64x112xi32, #tpu.memory_space<vmem>>)
    %mul3A_19 = arith.constant 64 : i32
    %mul3A_20 = arith.muli %add3A, %mul3A_19 : i32
    %dma_wait3A_21 = arith.constant 0 : i32
    %dma_wait3A_22 = tpu.memref_slice %arg3[%mul3A_20, %dma_wait3A_21] : memref<2048x112xi32, #tpu.memory_space<hbm>> -> memref<64x112xi32, #tpu.memory_space<hbm>>
    %dma_wait3A_23 = arith.constant 0 : i32
    %dma_wait3A_24 = tpu.memref_slice %arg3[%mul3A_20, %dma_wait3A_23] : memref<2048x112xi32, #tpu.memory_space<hbm>> -> memref<64x112xi32, #tpu.memory_space<hbm>>
    tpu.wait_dma2 semaphore(%arg18 : memref<!tpu.dma_semaphore, #tpu.memory_space<semaphore_mem>>) src(%dma_wait3A_24 : memref<64x112xi32, #tpu.memory_space<hbm>>) dst(%arg8 : memref<64x112xi32, #tpu.memory_space<vmem>>)
    %scan3A = arith.constant 0 : i32
    %scan3A_25 = arith.constant 0 : i32
    %scan3A_26 = arith.constant 16 : i32
    %scan3A_27 = arith.addi %scan3A_25, %scan3A_26 : i32
    %scan3A_28 = arith.constant 1 : i32
    scf.for %scan3A_38 = %scan3A_25 to %scan3A_27 step %scan3A_28  : i32 {
      %mul3A_39 = arith.constant 4 : i32
      %mul3A_40 = arith.muli %mul3A_39, %scan3A_38 : i32
      %add3A_41 = arith.constant 0 : i32
      %add3A_42 = arith.addi %mul3A_40, %add3A_41 : i32
      %dma_start3A_43 = arith.constant 0 : i32
      %dma_start3A_44 = tpu.memref_slice %arg7[%add3A_42, %dma_start3A_43] : memref<64x112xi32, #tpu.memory_space<vmem>> -> memref<1x112xi32, #tpu.memory_space<vmem>>
      %dma_start3A_45 = tpu.memref_squeeze %dma_start3A_44 : memref<1x112xi32, #tpu.memory_space<vmem>> -> memref<112xi32, #tpu.memory_space<vmem>>
      %dma_start3A_46 = arith.constant 0 : i32
      %dma_start3A_47 = arith.constant 0 : i32
      %dma_start3A_48 = tpu.memref_slice %arg4[%dma_start3A_46, %dma_start3A_47] : memref<100000x64xf32, #tpu.memory_space<hbm>> -> memref<100000x64xf32, #tpu.memory_space<hbm>>
      tpu.enqueue_indirect_dma source(%dma_start3A_48 : memref<100000x64xf32, #tpu.memory_space<hbm>>) target(%arg9 : memref<112x64xf32, #tpu.memory_space<vmem>>) offsets(%dma_start3A_45 : memref<112xi32, #tpu.memory_space<vmem>>) semaphore(%arg19 : memref<!tpu.dma_semaphore, #tpu.memory_space<semaphore_mem>>)
      %dma_start3A_49 = arith.constant 0 : i32
      %dma_start3A_50 = arith.constant 0 : i32
      %dma_start3A_51 = tpu.memref_slice %arg13[%dma_start3A_49, %dma_start3A_50] : memref<120x64xf32, #tpu.memory_space<vmem>> -> memref<112x64xf32, #tpu.memory_space<vmem>>
      %dma_start3A_52 = arith.constant 0 : i32
      %dma_start3A_53 = tpu.memref_slice %arg8[%add3A_42, %dma_start3A_52] : memref<64x112xi32, #tpu.memory_space<vmem>> -> memref<1x112xi32, #tpu.memory_space<vmem>>
      %dma_start3A_54 = tpu.memref_squeeze %dma_start3A_53 : memref<1x112xi32, #tpu.memory_space<vmem>> -> memref<112xi32, #tpu.memory_space<vmem>>
      %dma_start3A_55 = arith.constant 0 : i32
      %dma_start3A_56 = arith.constant 0 : i32
      %dma_start3A_57 = tpu.memref_slice %arg5[%dma_start3A_55, %dma_start3A_56] : memref<100000x64xf32, #tpu.memory_space<hbm>> -> memref<100000x64xf32, #tpu.memory_space<hbm>>
      tpu.enqueue_indirect_dma source(%dma_start3A_57 : memref<100000x64xf32, #tpu.memory_space<hbm>>) target(%dma_start3A_51 : memref<112x64xf32, #tpu.memory_space<vmem>>) offsets(%dma_start3A_54 : memref<112xi32, #tpu.memory_space<vmem>>) semaphore(%arg23 : memref<!tpu.dma_semaphore, #tpu.memory_space<semaphore_mem>>)
      %add3A_58 = arith.constant 1 : i32
      %add3A_59 = arith.addi %mul3A_40, %add3A_58 : i32
      %dma_start3A_60 = arith.constant 0 : i32
      %dma_start3A_61 = tpu.memref_slice %arg7[%add3A_59, %dma_start3A_60] : memref<64x112xi32, #tpu.memory_space<vmem>> -> memref<1x112xi32, #tpu.memory_space<vmem>>
      %dma_start3A_62 = tpu.memref_squeeze %dma_start3A_61 : memref<1x112xi32, #tpu.memory_space<vmem>> -> memref<112xi32, #tpu.memory_space<vmem>>
      %dma_start3A_63 = arith.constant 0 : i32
      %dma_start3A_64 = arith.constant 0 : i32
      %dma_start3A_65 = tpu.memref_slice %arg4[%dma_start3A_63, %dma_start3A_64] : memref<100000x64xf32, #tpu.memory_space<hbm>> -> memref<100000x64xf32, #tpu.memory_space<hbm>>
      tpu.enqueue_indirect_dma source(%dma_start3A_65 : memref<100000x64xf32, #tpu.memory_space<hbm>>) target(%arg10 : memref<112x64xf32, #tpu.memory_space<vmem>>) offsets(%dma_start3A_62 : memref<112xi32, #tpu.memory_space<vmem>>) semaphore(%arg20 : memref<!tpu.dma_semaphore, #tpu.memory_space<semaphore_mem>>)
      %dma_start3A_66 = arith.constant 0 : i32
      %dma_start3A_67 = arith.constant 0 : i32
      %dma_start3A_68 = tpu.memref_slice %arg14[%dma_start3A_66, %dma_start3A_67] : memref<120x64xf32, #tpu.memory_space<vmem>> -> memref<112x64xf32, #tpu.memory_space<vmem>>
      %dma_start3A_69 = arith.constant 0 : i32
      %dma_start3A_70 = tpu.memref_slice %arg8[%add3A_59, %dma_start3A_69] : memref<64x112xi32, #tpu.memory_space<vmem>> -> memref<1x112xi32, #tpu.memory_space<vmem>>
      %dma_start3A_71 = tpu.memref_squeeze %dma_start3A_70 : memref<1x112xi32, #tpu.memory_space<vmem>> -> memref<112xi32, #tpu.memory_space<vmem>>
      %dma_start3A_72 = arith.constant 0 : i32
      %dma_start3A_73 = arith.constant 0 : i32
      %dma_start3A_74 = tpu.memref_slice %arg5[%dma_start3A_72, %dma_start3A_73] : memref<100000x64xf32, #tpu.memory_space<hbm>> -> memref<100000x64xf32, #tpu.memory_space<hbm>>
      tpu.enqueue_indirect_dma source(%dma_start3A_74 : memref<100000x64xf32, #tpu.memory_space<hbm>>) target(%dma_start3A_68 : memref<112x64xf32, #tpu.memory_space<vmem>>) offsets(%dma_start3A_71 : memref<112xi32, #tpu.memory_space<vmem>>) semaphore(%arg24 : memref<!tpu.dma_semaphore, #tpu.memory_space<semaphore_mem>>)
      %add3A_75 = arith.constant 2 : i32
      %add3A_76 = arith.addi %mul3A_40, %add3A_75 : i32
      %dma_start3A_77 = arith.constant 0 : i32
      %dma_start3A_78 = tpu.memref_slice %arg7[%add3A_76, %dma_start3A_77] : memref<64x112xi32, #tpu.memory_space<vmem>> -> memref<1x112xi32, #tpu.memory_space<vmem>>
      %dma_start3A_79 = tpu.memref_squeeze %dma_start3A_78 : memref<1x112xi32, #tpu.memory_space<vmem>> -> memref<112xi32, #tpu.memory_space<vmem>>
      %dma_start3A_80 = arith.constant 0 : i32
      %dma_start3A_81 = arith.constant 0 : i32
      %dma_start3A_82 = tpu.memref_slice %arg4[%dma_start3A_80, %dma_start3A_81] : memref<100000x64xf32, #tpu.memory_space<hbm>> -> memref<100000x64xf32, #tpu.memory_space<hbm>>
      tpu.enqueue_indirect_dma source(%dma_start3A_82 : memref<100000x64xf32, #tpu.memory_space<hbm>>) target(%arg11 : memref<112x64xf32, #tpu.memory_space<vmem>>) offsets(%dma_start3A_79 : memref<112xi32, #tpu.memory_space<vmem>>) semaphore(%arg21 : memref<!tpu.dma_semaphore, #tpu.memory_space<semaphore_mem>>)
      %dma_start3A_83 = arith.constant 0 : i32
      %dma_start3A_84 = arith.constant 0 : i32
      %dma_start3A_85 = tpu.memref_slice %arg15[%dma_start3A_83, %dma_start3A_84] : memref<120x64xf32, #tpu.memory_space<vmem>> -> memref<112x64xf32, #tpu.memory_space<vmem>>
      %dma_start3A_86 = arith.constant 0 : i32
      %dma_start3A_87 = tpu.memref_slice %arg8[%add3A_76, %dma_start3A_86] : memref<64x112xi32, #tpu.memory_space<vmem>> -> memref<1x112xi32, #tpu.memory_space<vmem>>
      %dma_start3A_88 = tpu.memref_squeeze %dma_start3A_87 : memref<1x112xi32, #tpu.memory_space<vmem>> -> memref<112xi32, #tpu.memory_space<vmem>>
      %dma_start3A_89 = arith.constant 0 : i32
      %dma_start3A_90 = arith.constant 0 : i32
      %dma_start3A_91 = tpu.memref_slice %arg5[%dma_start3A_89, %dma_start3A_90] : memref<100000x64xf32, #tpu.memory_space<hbm>> -> memref<100000x64xf32, #tpu.memory_space<hbm>>
      tpu.enqueue_indirect_dma source(%dma_start3A_91 : memref<100000x64xf32, #tpu.memory_space<hbm>>) target(%dma_start3A_85 : memref<112x64xf32, #tpu.memory_space<vmem>>) offsets(%dma_start3A_88 : memref<112xi32, #tpu.memory_space<vmem>>) semaphore(%arg25 : memref<!tpu.dma_semaphore, #tpu.memory_space<semaphore_mem>>)
      %add3A_92 = arith.constant 3 : i32
      %add3A_93 = arith.addi %mul3A_40, %add3A_92 : i32
      %dma_start3A_94 = arith.constant 0 : i32
      %dma_start3A_95 = tpu.memref_slice %arg7[%add3A_93, %dma_start3A_94] : memref<64x112xi32, #tpu.memory_space<vmem>> -> memref<1x112xi32, #tpu.memory_space<vmem>>
      %dma_start3A_96 = tpu.memref_squeeze %dma_start3A_95 : memref<1x112xi32, #tpu.memory_space<vmem>> -> memref<112xi32, #tpu.memory_space<vmem>>
      %dma_start3A_97 = arith.constant 0 : i32
      %dma_start3A_98 = arith.constant 0 : i32
      %dma_start3A_99 = tpu.memref_slice %arg4[%dma_start3A_97, %dma_start3A_98] : memref<100000x64xf32, #tpu.memory_space<hbm>> -> memref<100000x64xf32, #tpu.memory_space<hbm>>
      tpu.enqueue_indirect_dma source(%dma_start3A_99 : memref<100000x64xf32, #tpu.memory_space<hbm>>) target(%arg12 : memref<112x64xf32, #tpu.memory_space<vmem>>) offsets(%dma_start3A_96 : memref<112xi32, #tpu.memory_space<vmem>>) semaphore(%arg22 : memref<!tpu.dma_semaphore, #tpu.memory_space<semaphore_mem>>)
      %dma_start3A_100 = arith.constant 0 : i32
      %dma_start3A_101 = arith.constant 0 : i32
      %dma_start3A_102 = tpu.memref_slice %arg16[%dma_start3A_100, %dma_start3A_101] : memref<120x64xf32, #tpu.memory_space<vmem>> -> memref<112x64xf32, #tpu.memory_space<vmem>>
      %dma_start3A_103 = arith.constant 0 : i32
      %dma_start3A_104 = tpu.memref_slice %arg8[%add3A_93, %dma_start3A_103] : memref<64x112xi32, #tpu.memory_space<vmem>> -> memref<1x112xi32, #tpu.memory_space<vmem>>
      %dma_start3A_105 = tpu.memref_squeeze %dma_start3A_104 : memref<1x112xi32, #tpu.memory_space<vmem>> -> memref<112xi32, #tpu.memory_space<vmem>>
      %dma_start3A_106 = arith.constant 0 : i32
      %dma_start3A_107 = arith.constant 0 : i32
      %dma_start3A_108 = tpu.memref_slice %arg5[%dma_start3A_106, %dma_start3A_107] : memref<100000x64xf32, #tpu.memory_space<hbm>> -> memref<100000x64xf32, #tpu.memory_space<hbm>>
      tpu.enqueue_indirect_dma source(%dma_start3A_108 : memref<100000x64xf32, #tpu.memory_space<hbm>>) target(%dma_start3A_102 : memref<112x64xf32, #tpu.memory_space<vmem>>) offsets(%dma_start3A_105 : memref<112xi32, #tpu.memory_space<vmem>>) semaphore(%arg26 : memref<!tpu.dma_semaphore, #tpu.memory_space<semaphore_mem>>)
      %add3A_109 = arith.constant 0 : i32
      %add3A_110 = arith.addi %mul3A_40, %add3A_109 : i32
      %dma_wait3A_111 = arith.constant 0 : i32
      %dma_wait3A_112 = tpu.memref_slice %arg7[%add3A_110, %dma_wait3A_111] : memref<64x112xi32, #tpu.memory_space<vmem>> -> memref<1x112xi32, #tpu.memory_space<vmem>>
      %dma_wait3A_113 = tpu.memref_squeeze %dma_wait3A_112 : memref<1x112xi32, #tpu.memory_space<vmem>> -> memref<112xi32, #tpu.memory_space<vmem>>
      %dma_wait3A_114 = arith.constant 0 : i32
      %dma_wait3A_115 = arith.constant 0 : i32
      %dma_wait3A_116 = tpu.memref_slice %arg4[%dma_wait3A_114, %dma_wait3A_115] : memref<100000x64xf32, #tpu.memory_space<hbm>> -> memref<100000x64xf32, #tpu.memory_space<hbm>>
      tpu.wait_indirect_dma semaphore(%arg19 : memref<!tpu.dma_semaphore, #tpu.memory_space<semaphore_mem>>) src(%dma_wait3A_116 : memref<100000x64xf32, #tpu.memory_space<hbm>>) dst(%arg9 : memref<112x64xf32, #tpu.memory_space<vmem>>)
      %dma_wait3A_117 = arith.constant 0 : i32
      %dma_wait3A_118 = arith.constant 0 : i32
      %dma_wait3A_119 = tpu.memref_slice %arg13[%dma_wait3A_117, %dma_wait3A_118] : memref<120x64xf32, #tpu.memory_space<vmem>> -> memref<112x64xf32, #tpu.memory_space<vmem>>
      %dma_wait3A_120 = arith.constant 0 : i32
      %dma_wait3A_121 = tpu.memref_slice %arg8[%add3A_110, %dma_wait3A_120] : memref<64x112xi32, #tpu.memory_space<vmem>> -> memref<1x112xi32, #tpu.memory_space<vmem>>
      %dma_wait3A_122 = tpu.memref_squeeze %dma_wait3A_121 : memref<1x112xi32, #tpu.memory_space<vmem>> -> memref<112xi32, #tpu.memory_space<vmem>>
      %dma_wait3A_123 = arith.constant 0 : i32
      %dma_wait3A_124 = arith.constant 0 : i32
      %dma_wait3A_125 = tpu.memref_slice %arg5[%dma_wait3A_123, %dma_wait3A_124] : memref<100000x64xf32, #tpu.memory_space<hbm>> -> memref<100000x64xf32, #tpu.memory_space<hbm>>
      tpu.wait_indirect_dma semaphore(%arg23 : memref<!tpu.dma_semaphore, #tpu.memory_space<semaphore_mem>>) src(%dma_wait3A_125 : memref<100000x64xf32, #tpu.memory_space<hbm>>) dst(%dma_wait3A_119 : memref<112x64xf32, #tpu.memory_space<vmem>>)
      %add3A_126 = arith.constant 1 : i32
      %add3A_127 = arith.addi %mul3A_40, %add3A_126 : i32
      %dma_wait3A_128 = arith.constant 0 : i32
      %dma_wait3A_129 = tpu.memref_slice %arg7[%add3A_127, %dma_wait3A_128] : memref<64x112xi32, #tpu.memory_space<vmem>> -> memref<1x112xi32, #tpu.memory_space<vmem>>
      %dma_wait3A_130 = tpu.memref_squeeze %dma_wait3A_129 : memref<1x112xi32, #tpu.memory_space<vmem>> -> memref<112xi32, #tpu.memory_space<vmem>>
      %dma_wait3A_131 = arith.constant 0 : i32
      %dma_wait3A_132 = arith.constant 0 : i32
      %dma_wait3A_133 = tpu.memref_slice %arg4[%dma_wait3A_131, %dma_wait3A_132] : memref<100000x64xf32, #tpu.memory_space<hbm>> -> memref<100000x64xf32, #tpu.memory_space<hbm>>
      tpu.wait_indirect_dma semaphore(%arg20 : memref<!tpu.dma_semaphore, #tpu.memory_space<semaphore_mem>>) src(%dma_wait3A_133 : memref<100000x64xf32, #tpu.memory_space<hbm>>) dst(%arg10 : memref<112x64xf32, #tpu.memory_space<vmem>>)
      %dma_wait3A_134 = arith.constant 0 : i32
      %dma_wait3A_135 = arith.constant 0 : i32
      %dma_wait3A_136 = tpu.memref_slice %arg14[%dma_wait3A_134, %dma_wait3A_135] : memref<120x64xf32, #tpu.memory_space<vmem>> -> memref<112x64xf32, #tpu.memory_space<vmem>>
      %dma_wait3A_137 = arith.constant 0 : i32
      %dma_wait3A_138 = tpu.memref_slice %arg8[%add3A_127, %dma_wait3A_137] : memref<64x112xi32, #tpu.memory_space<vmem>> -> memref<1x112xi32, #tpu.memory_space<vmem>>
      %dma_wait3A_139 = tpu.memref_squeeze %dma_wait3A_138 : memref<1x112xi32, #tpu.memory_space<vmem>> -> memref<112xi32, #tpu.memory_space<vmem>>
      %dma_wait3A_140 = arith.constant 0 : i32
      %dma_wait3A_141 = arith.constant 0 : i32
      %dma_wait3A_142 = tpu.memref_slice %arg5[%dma_wait3A_140, %dma_wait3A_141] : memref<100000x64xf32, #tpu.memory_space<hbm>> -> memref<100000x64xf32, #tpu.memory_space<hbm>>
      tpu.wait_indirect_dma semaphore(%arg24 : memref<!tpu.dma_semaphore, #tpu.memory_space<semaphore_mem>>) src(%dma_wait3A_142 : memref<100000x64xf32, #tpu.memory_space<hbm>>) dst(%dma_wait3A_136 : memref<112x64xf32, #tpu.memory_space<vmem>>)
      %add3A_143 = arith.constant 2 : i32
      %add3A_144 = arith.addi %mul3A_40, %add3A_143 : i32
      %dma_wait3A_145 = arith.constant 0 : i32
      %dma_wait3A_146 = tpu.memref_slice %arg7[%add3A_144, %dma_wait3A_145] : memref<64x112xi32, #tpu.memory_space<vmem>> -> memref<1x112xi32, #tpu.memory_space<vmem>>
      %dma_wait3A_147 = tpu.memref_squeeze %dma_wait3A_146 : memref<1x112xi32, #tpu.memory_space<vmem>> -> memref<112xi32, #tpu.memory_space<vmem>>
      %dma_wait3A_148 = arith.constant 0 : i32
      %dma_wait3A_149 = arith.constant 0 : i32
      %dma_wait3A_150 = tpu.memref_slice %arg4[%dma_wait3A_148, %dma_wait3A_149] : memref<100000x64xf32, #tpu.memory_space<hbm>> -> memref<100000x64xf32, #tpu.memory_space<hbm>>
      tpu.wait_indirect_dma semaphore(%arg21 : memref<!tpu.dma_semaphore, #tpu.memory_space<semaphore_mem>>) src(%dma_wait3A_150 : memref<100000x64xf32, #tpu.memory_space<hbm>>) dst(%arg11 : memref<112x64xf32, #tpu.memory_space<vmem>>)
      %dma_wait3A_151 = arith.constant 0 : i32
      %dma_wait3A_152 = arith.constant 0 : i32
      %dma_wait3A_153 = tpu.memref_slice %arg15[%dma_wait3A_151, %dma_wait3A_152] : memref<120x64xf32, #tpu.memory_space<vmem>> -> memref<112x64xf32, #tpu.memory_space<vmem>>
      %dma_wait3A_154 = arith.constant 0 : i32
      %dma_wait3A_155 = tpu.memref_slice %arg8[%add3A_144, %dma_wait3A_154] : memref<64x112xi32, #tpu.memory_space<vmem>> -> memref<1x112xi32, #tpu.memory_space<vmem>>
      %dma_wait3A_156 = tpu.memref_squeeze %dma_wait3A_155 : memref<1x112xi32, #tpu.memory_space<vmem>> -> memref<112xi32, #tpu.memory_space<vmem>>
      %dma_wait3A_157 = arith.constant 0 : i32
      %dma_wait3A_158 = arith.constant 0 : i32
      %dma_wait3A_159 = tpu.memref_slice %arg5[%dma_wait3A_157, %dma_wait3A_158] : memref<100000x64xf32, #tpu.memory_space<hbm>> -> memref<100000x64xf32, #tpu.memory_space<hbm>>
      tpu.wait_indirect_dma semaphore(%arg25 : memref<!tpu.dma_semaphore, #tpu.memory_space<semaphore_mem>>) src(%dma_wait3A_159 : memref<100000x64xf32, #tpu.memory_space<hbm>>) dst(%dma_wait3A_153 : memref<112x64xf32, #tpu.memory_space<vmem>>)
      %add3A_160 = arith.constant 3 : i32
      %add3A_161 = arith.addi %mul3A_40, %add3A_160 : i32
      %dma_wait3A_162 = arith.constant 0 : i32
      %dma_wait3A_163 = tpu.memref_slice %arg7[%add3A_161, %dma_wait3A_162] : memref<64x112xi32, #tpu.memory_space<vmem>> -> memref<1x112xi32, #tpu.memory_space<vmem>>
      %dma_wait3A_164 = tpu.memref_squeeze %dma_wait3A_163 : memref<1x112xi32, #tpu.memory_space<vmem>> -> memref<112xi32, #tpu.memory_space<vmem>>
      %dma_wait3A_165 = arith.constant 0 : i32
      %dma_wait3A_166 = arith.constant 0 : i32
      %dma_wait3A_167 = tpu.memref_slice %arg4[%dma_wait3A_165, %dma_wait3A_166] : memref<100000x64xf32, #tpu.memory_space<hbm>> -> memref<100000x64xf32, #tpu.memory_space<hbm>>
      tpu.wait_indirect_dma semaphore(%arg22 : memref<!tpu.dma_semaphore, #tpu.memory_space<semaphore_mem>>) src(%dma_wait3A_167 : memref<100000x64xf32, #tpu.memory_space<hbm>>) dst(%arg12 : memref<112x64xf32, #tpu.memory_space<vmem>>)
      %dma_wait3A_168 = arith.constant 0 : i32
      %dma_wait3A_169 = arith.constant 0 : i32
      %dma_wait3A_170 = tpu.memref_slice %arg16[%dma_wait3A_168, %dma_wait3A_169] : memref<120x64xf32, #tpu.memory_space<vmem>> -> memref<112x64xf32, #tpu.memory_space<vmem>>
      %dma_wait3A_171 = arith.constant 0 : i32
      %dma_wait3A_172 = tpu.memref_slice %arg8[%add3A_161, %dma_wait3A_171] : memref<64x112xi32, #tpu.memory_space<vmem>> -> memref<1x112xi32, #tpu.memory_space<vmem>>
      %dma_wait3A_173 = tpu.memref_squeeze %dma_wait3A_172 : memref<1x112xi32, #tpu.memory_space<vmem>> -> memref<112xi32, #tpu.memory_space<vmem>>
      %dma_wait3A_174 = arith.constant 0 : i32
      %dma_wait3A_175 = arith.constant 0 : i32
      %dma_wait3A_176 = tpu.memref_slice %arg5[%dma_wait3A_174, %dma_wait3A_175] : memref<100000x64xf32, #tpu.memory_space<hbm>> -> memref<100000x64xf32, #tpu.memory_space<hbm>>
      tpu.wait_indirect_dma semaphore(%arg26 : memref<!tpu.dma_semaphore, #tpu.memory_space<semaphore_mem>>) src(%dma_wait3A_176 : memref<100000x64xf32, #tpu.memory_space<hbm>>) dst(%dma_wait3A_170 : memref<112x64xf32, #tpu.memory_space<vmem>>)
    }
    %scan3A_29 = arith.constant 16 : i32
    %dma_start3A_30 = arith.constant 0 : i32
    %dma_start3A_31 = tpu.memref_slice %arg6[%mul3A_2, %dma_start3A_30] : memref<4096x64xf32, #tpu.memory_space<hbm>> -> memref<128x64xf32, #tpu.memory_space<hbm>>
    %dma_start3A_32 = arith.constant 0 : i32
    %dma_start3A_33 = tpu.memref_slice %arg6[%mul3A_2, %dma_start3A_32] : memref<4096x64xf32, #tpu.memory_space<hbm>> -> memref<128x64xf32, #tpu.memory_space<hbm>>
    tpu.enqueue_dma source(%arg17 : memref<128x64xf32, #tpu.memory_space<vmem>>) target(%dma_start3A_33 : memref<128x64xf32, #tpu.memory_space<hbm>>) target_semaphore(%arg27 : memref<!tpu.dma_semaphore, #tpu.memory_space<semaphore_mem>>)
    %dma_wait3A_34 = arith.constant 0 : i32
    %dma_wait3A_35 = tpu.memref_slice %arg6[%mul3A_2, %dma_wait3A_34] : memref<4096x64xf32, #tpu.memory_space<hbm>> -> memref<128x64xf32, #tpu.memory_space<hbm>>
    %dma_wait3A_36 = arith.constant 0 : i32
    %dma_wait3A_37 = tpu.memref_slice %arg6[%mul3A_2, %dma_wait3A_36] : memref<4096x64xf32, #tpu.memory_space<hbm>> -> memref<128x64xf32, #tpu.memory_space<hbm>>
    tpu.wait_dma2 semaphore(%arg27 : memref<!tpu.dma_semaphore, #tpu.memory_space<semaphore_mem>>) src(%arg17 : memref<128x64xf32, #tpu.memory_space<vmem>>) dst(%dma_wait3A_37 : memref<128x64xf32, #tpu.memory_space<hbm>>)
    return
  }
}

</mosaic_0001>

<sc_bundles>
// kernel: _cbow_sc.3.cloned.1.call-start
scs
__scs_entry_jumppad:
0x0: {  	(pc) =	sbr.rel $0x88, $3  }
0x1: {  	(tag) =	ssettag $0x0;
	lr =	simm.s32 $0x1  }
0x2: {  	[smem:$0x3F9D] =	sst lr;
	_ =	strace $0xD0000000  }
0x3: {  	_ = 	snop  }
0x4: {  	_ = 	snop  }
0x5: {  	_ = 	snop  }
0x6: {  	_ = 	snop  }
0x7: {  	_ = 	snop  }
__scs_overlays_trampoline_lowered:
0x8: {  	[smem:$0x3FAC] =	sst s0  }
0x9: {  	[smem:$0x3FAD] =	sst s1  }
0xa: {  	[smem:$0x3FAE] =	sst s2  }
0xb: {  	[smem:$0x3FAF] =	sst s3  }
0xc: {  	[smem:$0x3FB0] =	sst s4  }
0xd: {  	[smem:$0x3FB1] =	sst s5  }
0xe: {  	[smem:$0x3FB2] =	sst s6  }
0xf: {  	[smem:$0x3FB3] =	sst s7  }
0x10: {  	[smem:$0x3FB4] =	sst s8  }
0x11: {  	[smem:$0x3FB5] =	sst s9;
	s0 =	simm.s32 @!p0 $0x0  }
0x12: {  	s1 =	sld [smem:$0x3F9B];
	s0 =	simm.s32 @p0 $0x1  }
0x13: {  	[smem:$0x3FB6] =	sst s0;
	s0 =	simm.s32 @!p1 $0x0  }
0x14: {  	s2 =	sld [smem:$0x3F9A];
	s0 =	simm.s32 @p1 $0x1  }
0x15: {  	[smem:$0x3FB7] =	sst s0;
	s0 =	simm.s32 @!p2 $0x0  }
0x16: {  	s3 =	sld [smem:$0x3FDB];
	s0 =	simm.s32 @p2 $0x1  }
0x17: {  	s4 =	simm.s32 $0x1BF5;
	[smem:$0x3FB9] =	sst s0  }
0x18: {  	s0 =	sld [smem:$0x3F9C];
	_ =	swait.ge [sflag:s4], $0x0  }
0x19: {  	s7 =	sld [smem:$0x3F9D]  }
0x1a: {  	s8 =	sadd.s32 $0xFFFFE003, lr  }
0x1b: {  	s9 =	sadd.s32 $0xFFFFFEF7, lr;
	s5 =	simm.s32 $0xFFFFFFFF;
	p2 =	slt.u32 s8, $0xFFFFF086  }
0x1c: {  	p1 =	slt.u32 s9, $0xF7A;
	s5 =	simm.s32 @!p2 $0x0  }
0x1d: {  	s5 =	simm.s32 @p1 $0x1;
	p0 =	seq.s32 s7, s2  }
0x1e: {  	s7 =	smul.u32 @!p0 $0xF7A, s2;
	p2 =	seq.s32 @!p0 s5, $0x0  }
0x1f: {  	s9 =	smul.u32 $0xF7A, s1;
	s8 =	simm.s32 @!p0 $0x1BF5;
	p2 =	por !p2, p0  }
0x20: {  	[sflag:s8] =	ssyncset.s32 @!p0 $0xFFFFF086;
	s6 =	sadd.s32 @!p0 s3, s7;
	s7 =	simm.s32 @!p0 $0x108  }
0x21: {  	s3 =	sadd.s32 s3, s9;
	s6 =	sadd.s32 @!p0 $0x88, s6;
	s7 =	simm.s32 @p2 $0x1082  }
0x22: {  	[simem:s7], [sflag:s8] =	dma.local @!p0 [hbm:s6], $0xF7A  }
0x23: {  	s9 =	sor.u32 $0xD0000000, s2;
	s6 =	simm.s32 $0x108;
	_ =	swait.ge @!p0 [sflag:s8], $0x0  }
0x24: {  	s3 =	sadd.s32 $0x88, s3;
	s6 =	simm.s32 @!p1 $0x1082;
	[sflag:s4] =	ssyncset.s32 $0xFFFFF086  }
0x25: {  	[simem:s6], [sflag:s4] =	dma.local [hbm:s3], $0xF7A  }
0x26: {  	[smem:$0x3F9D] =	sst s1;
	(tag) =	ssettag s2;
	_ =	strace s9  }
0x27: {  	s1 =	sld [smem:$0x3FAD]  }
0x28: {  	s2 =	sld [smem:$0x3FAE]  }
0x29: {  	s4 =	sld [smem:$0x3FB0]  }
0x2a: {  	p0 =	seq.s32 s5, $0x0;
	s5 =	sld [smem:$0x3FB1]  }
0x2b: {  	s6 =	sld [smem:$0x3FB2]  }
0x2c: {  	s7 =	sld [smem:$0x3FB3]  }
0x2d: {  	s3 =	simm.s32 $0x108;
	s8 =	sld [smem:$0x3FB4]  }
0x2e: {  	s3 =	simm.s32 @!p0 $0x1082;
	s9 =	sld [smem:$0x3FB5]  }
0x2f: {  	lr =	sadd.s32 s0, s3;
	s0 =	sld [smem:$0x3FAC]  }
0x30: {  	s3 =	sld [smem:$0x3FAF]  }
0x31: {  	[smem:$0x3FB8] =	sst s10  }
0x32: {  	s10 =	sld [smem:$0x3FB6];
	_ =	sdelay $0x3  }
0x33: {  	p0 =	seq.s32 s10, $0x1;
	s10 =	sld [smem:$0x3FB8];
	_ =	sdelay $0x3  }
0x34: {  	[smem:$0x3FB8] =	sst s10  }
0x35: {  	s10 =	sld [smem:$0x3FB7];
	_ =	sdelay $0x3  }
0x36: {  	p1 =	seq.s32 s10, $0x1;
	s10 =	sld [smem:$0x3FB8];
	_ =	sdelay $0x3  }
0x37: {  	[smem:$0x3FB8] =	sst s10  }
0x38: {  	s10 =	sld [smem:$0x3FB9]  }
0x39: {  	_ = 	snop;
	(pc) =	sbr.ind lr, $3  }
0x3a: {  	_ = 	snop  }
0x3b: {  	_ = 	snop  }
0x3c: {  	p2 =	seq.s32 s10, $0x1;
	s10 =	sld [smem:$0x3FB8]  }
0x3d: {  	_ =	shalt  }
0x3e: {  	_ =	shalt  }
0x3f: {  	_ =	shalt  }
0x40: {  	_ =	shalt  }
0x41: {  	_ =	shalt  }
0x42: {  	_ =	shalt  }
0x43: {  	_ =	shalt  }
0x44: {  	_ =	shalt  }
0x45: {  	_ =	shalt  }
0x46: {  	_ =	shalt  }
0x47: {  	_ =	shalt  }
0x48: {  	_ =	shalt  }
0x49: {  	_ =	shalt  }
0x4a: {  	_ =	shalt  }
0x4b: {  	_ =	shalt  }
0x4c: {  	_ =	shalt  }
0x4d: {  	_ =	shalt  }
0x4e: {  	_ =	shalt  }
0x4f: {  	_ =	shalt  }
0x50: {  	_ =	shalt  }
0x51: {  	_ =	shalt  }
0x52: {  	_ =	shalt  }
0x53: {  	_ =	shalt  }
0x54: {  	_ =	shalt  }
0x55: {  	_ =	shalt  }
0x56: {  	_ =	shalt  }
0x57: {  	_ =	shalt  }
0x58: {  	_ =	shalt  }
0x59: {  	_ =	shalt  }
0x5a: {  	_ =	shalt  }
0x5b: {  	_ =	shalt  }
0x5c: {  	_ =	shalt  }
0x5d: {  	_ =	shalt  }
0x5e: {  	_ =	shalt  }
0x5f: {  	_ =	shalt  }
0x60: {  	_ =	shalt  }
0x61: {  	_ =	shalt  }
0x62: {  	_ =	shalt  }
0x63: {  	_ =	shalt  }
0x64: {  	_ =	shalt  }
0x65: {  	_ =	shalt  }
0x66: {  	_ =	shalt  }
0x67: {  	_ =	shalt  }
0x68: {  	_ =	shalt  }
0x69: {  	_ =	shalt  }
0x6a: {  	_ =	shalt  }
0x6b: {  	_ =	shalt  }
0x6c: {  	_ =	shalt  }
0x6d: {  	_ =	shalt  }
0x6e: {  	_ =	shalt  }
0x6f: {  	_ =	shalt  }
0x70: {  	_ =	shalt  }
0x71: {  	_ =	shalt  }
0x72: {  	_ =	shalt  }
0x73: {  	_ =	shalt  }
0x74: {  	_ =	shalt  }
0x75: {  	_ =	shalt  }
0x76: {  	_ =	shalt  }
0x77: {  	_ =	shalt  }
0x78: {  	_ =	shalt  }
0x79: {  	_ =	shalt  }
0x7a: {  	_ =	shalt  }
0x7b: {  	_ =	shalt  }
0x7c: {  	_ =	shalt  }
0x7d: {  	_ =	shalt  }
0x7e: {  	_ =	shalt  }
0x7f: {  	_ =	shalt  }
0x80: {  	_ =	shalt  }
0x81: {  	_ =	shalt  }
0x82: {  	_ =	shalt  }
0x83: {  	_ =	shalt  }
0x84: {  	_ =	shalt  }
0x85: {  	_ =	shalt  }
0x86: {  	_ =	shalt  }
0x87: {  	_ =	shalt  }
.Lfunc_end0:
.L_simem_size_0:
called_computation_lowered:
.L_overlay_start_0:
0x88: {  	s2 =	sld [smem:$0x3FD9]  }
0x89: {  	s3 =	sld [smem:$0x3FFE];
	_ =	sdelay $0x1  }
0x8a: {  	s1 =	srdreg.scid  }
0x8b: {  	s0 =	sand.u32 $0x1, s1  }
0x8c: {  	s17 =	sshll.u32 s0, $0xA;
	s2 =	sadd.s32 s3, s2  }
0x8d: {  	s2 =	sadd.s32 s2, s17  }
0x8e: {  	[smem:$0x3FC4] =	sst s2  }
0x8f: {  	_ = 	snop  }
0x90: {  	s2 =	sld [smem:$0x3FD0];
	(tm) =	ssettm $0x1  }
0x91: {  	s18 =	sld [smem:$0x3FFB];
	_ =	sdelay $0x3  }
0x92: {  	_ =	strace s18  }
0x93: {  	s3 =	sld [smem:$0x3FFC];
	_ =	sdelay $0x3  }
0x94: {  	_ =	strace s3  }
0x95: {  	s3 =	sld [smem:$0x3FFD];
	_ =	sdelay $0x3  }
0x96: {  	_ =	strace s3  }
0x97: {  	_ =	strace $0x8FFFFFFF  }
0x98: {  	s19 =	sld [smem:$0x3FDB];
	_ =	sdelay $0x1  }
0x99: {  	s4 =	simm.s32 $_scs_section_size  }
0x9a: {  	s5 =	simm.s32 $_size__tile_overlayer_lowered;
	s6 =	simm.s32 $_tile_overlayer_lowered  }
0x9b: {  	s22 =	simm.s32 $0x1BFF;
	s21 =	sshll.u32 s6, $0x1;
	s3 =	sadd.s32 s4, s19  }
0x9c: {  	s7 =	simm.s32 $0x0;
	s20 =	sshll.u32 s5, $0x1;
	s5 =	sadd.s32 s21, s3  }
0x9d: {  	[timem:s7], [sflag:s22] =	dma.local [hbm:s5], s20  }
0x9e: {  	_ =	swait.ge [sflag:s22], s20  }
0x9f: {  	s4 =	ssub.s32 $0x0, s20;
	[sflag:s22] =	ssyncset.done $0x0  }
0xa0: {  	[sflag:s22] =	ssyncadd.s32 s4;
	_ =	sdelay $0x1  }
0xa1: {  	s23 =	simm.s32 $0x1B8B  }
0xa2: {  	_ =	swait.ge [sflag:s23], $0x1  }
0xa3: {  	[sflag:s23] =	ssyncset.done $0x0  }
0xa4: {  	s25 =	simm.s32 $0x1B8E;
	s24 =	sld [smem:$0x3FFE];
	[sflag:s23] =	ssyncadd.s32 $0xFFFFFFFF  }
0xa5: {  	s26 =	simm.s32 $execute0_lowered;
	[smem:$0x3FD2] =	sst s25  }
0xa6: {  	s5 =	sshll.u32 s26, $0x1;
	_ =	strace $0x80000046;
	[dreg:$0x1] =	wrdreg $0xFFFFFFFF  }
0xa7: {  	s28 =	simm.s32 $_size_execute0_lowered;
	s3 =	sadd.s32 s3, s5;
	[dreg:$0x0] =	wrdreg $0x0  }
0xa8: {  	s5 =	sshll.u32 s28, $0x1;
	[dreg:$0x2] =	wrdreg s3  }
0xa9: {  	[dreg:$0x3] =	wrdreg s5  }
0xaa: {  	[dreg:$0x4] =	wrdreg $0xC0  }
0xab: {  	_ =	task [dreg:s7], $0x5FFFF  }
0xac: {  	[dreg:$0x1] =	wrdreg $0xFFFFFFFF  }
0xad: {  	[dreg:$0x0] =	wrdreg $0x60  }
0xae: {  	[dreg:$0x2] =	wrdreg s24  }
0xaf: {  	[dreg:$0x3] =	wrdreg s2  }
0xb0: {  	[dreg:$0x4] =	wrdreg $0x9  }
0xb1: {  	_ =	task.clear_ibuf [dreg:s7], $0x5FFFF;
	_ =	strace $0x90000046  }
0xb2: {  	s29 =	simm.s32 $0x9;
	_ =	strace $0x80000048  }
0xb3: {  	_ =	swait.ge [sflag:s29], $0x1  }
0xb4: {  	[sflag:s29] =	ssyncadd.s32 $0xFFFFFFFF  }
0xb5: {  	_ =	strace $0x90000048  }
0xb6: {  	_ =	sfence  }
0xb7: {  	s30 =	sld [smem:$0x0];
	_ =	sdelay $0x2  }
0xb8: {  	s31 =	sshll.u32 s1, $0xD;
	s1 =	sshrl.u32 s1, $0x2  }
0xb9: {  	s3 =	sand.u32 $0x4000, s31;
	s1 =	sadd.s32 s1, s30  }
0xba: {  	s0 =	sor.u32 s3, s0;
	s1 =	sshll.u32 s1, $0x11  }
0xbb: {  	s0 =	sor.u32 s1, s0  }
0xbc: {  	s0 =	sadd.s32 $0x8F2B, s0  }
0xbd: {  	[sflag:s0] =	ssyncadd.remote.s32 $0x1  }
0xbe: {  	_ =	sfence.sel $0xFFFF  }
0xbf: {  	[dreg:$0x0] =	wrdreg $0xFFFFFFFF;
	(pc) =	sbr.abs _section_cstart, $3  }
0xc0: {  	[dreg:$0x1] =	wrdreg $0xFFFFFFFF  }
0xc1: {  	_ =	task.clear_ibuf [dreg:s7], $0x2FFFF;
	_ =	strace $0x9FFFFFFF  }
0xc2: {  	(tm) =	ssettm $0x7FFFFFFF  }
0xc3: {  	_ =	shalt  }
tec
execute0_lowered:
.L_overlay_start_1:
0x0: {  	(tag) =	ssettag $0x1  }
0x1: {  	s0 =	srdreg.scid  }
0x2: {  	s2 =	stileid.u32;
	s1 =	rddreg [dreg:$0x0]  }
0x3: {  	s7 =	rddreg [dreg:$0x1];
	s10 =	simm.s32 $0x1;
	s11 =	simm.s32 $0x70  }
0x4: {  	s12 =	simm.s32 $0x3800;
	s13 =	simm.s32 $0xA800;
	s14 =	simm.s32 $0x5400  }
0x5: {  	s15 =	simm.s32 $0xC600;
	s16 =	simm.s32 $0x7000;
	s17 =	simm.s32 $0xE400  }
0x6: {  	s18 =	simm.s32 $0x8C00;
	s19 =	simm.s32 $0x10200;
	s20 =	simm.s32 $0x2  }
0x7: {  	s21 =	simm.s32 $0x6;
	s22 =	simm.s32 $0x3;
	s23 =	simm.s32 $0x7  }
0x8: {  	s24 =	simm.s32 $0x4;
	s25 =	simm.s32 $0x8;
	s26 =	simm.s32 $0x5  }
0x9: {  	s28 =	simm.s32 $0x9;
	s30 =	simm.s32 $0xA;
	s31 =	simm.s32 $0x0  }
0xa: {  	s0 =	sand.u32 $0x1, s0;
	s2 =	sshll.u32 s2, $0x1;
	s4 =	sadd.s32 $0x188E00, s1  }
0xb: {  	s8 =	sor.u32 s0, s2;
	s2 =	simm.s32 $0x0;
	s0 =	ssub.s32 $0x2, s0  }
0xc: {  	s3 =	smul.u32 $0x380, s8;
	[smem:$0x7FF] =	sst s2;
	s5 =	sshrl.u32 s0, $0x1  }
0xd: {  	s29 =	sshll.u32 s8, $0xA;
	_ =	strace $0x80000047;
	s0 =	ssub.s32 s0, s5  }
0xe: {  	s7 =	sadd.s32 s7, s29;
	s6 =	sadd.s32 s3, s1;
	s3 =	sadd.s32 $0x24C400, s1  }
0xf: {  	s8 =	smax.u32 s0, $0x1;
	s5 =	sadd.s32 $0x9400, s6;
	s6 =	sadd.s32 $0x2400, s6  }
.LBB2_1:
0x10: {  	[tilespmem:s2], [sflag:$0x1] =	stream.linear.gather [hbm4b:s5+s2], $0x1C00, $0x38;
	[tilespmem:$0x14000] =	vst v63  }
0x11: {  	s0 =	simm.s32 $0x1C00  }
0x12: {  	[tilespmem:s0], [sflag:$0x1] =	stream.linear.gather [hbm4b:s6+s2], $0x1C00, $0x38;
	[tilespmem:$0x14000] =	vst v63  }
0x13: {  	_ =	swait.ge [sflag:s10], $0x1C00  }
0x14: {  	[sflag:s10] =	ssyncset.done $0x0  }
0x15: {  	[sflag:s10] =	ssyncadd.s32 $0xFFFFE400  }
0x16: {  	_ =	swait.ge [sflag:s10], $0x1C00  }
0x17: {  	[sflag:s10] =	ssyncset.done $0x0  }
0x18: {  	s9 =	simm.s32 $0x0;
	[sflag:s10] =	ssyncadd.s32 $0xFFFFE400  }
0x19: {  	[tilespmem:s12], [sflag:$0x2] =	stream.indirect.gather [hbm4b:s3+s11], $0x40, s9, s11, $0xb8;
	[tilespmem:$0x14000] =	vst v63  }
0x1a: {  	s29 =	simm.s32 $0x1C00  }
0x1b: {  	[tilespmem:s13], [sflag:$0x6] =	stream.indirect.gather [hbm4b:s4+s11], $0x40, s29, s11, $0xb8;
	[tilespmem:$0x14000] =	vst v63  }
0x1c: {  	s1 =	simm.s32 $0x70  }
0x1d: {  	[tilespmem:s14], [sflag:$0x3] =	stream.indirect.gather [hbm4b:s3+s11], $0x40, s1, s11, $0xb8;
	[tilespmem:$0x14000] =	vst v63  }
0x1e: {  	s9 =	simm.s32 $0x1C70  }
0x1f: {  	[tilespmem:s15], [sflag:$0x7] =	stream.indirect.gather [hbm4b:s4+s11], $0x40, s9, s11, $0xb8;
	[tilespmem:$0x14000] =	vst v63  }
0x20: {  	s29 =	simm.s32 $0xE0  }
0x21: {  	[tilespmem:s16], [sflag:$0x4] =	stream.indirect.gather [hbm4b:s3+s11], $0x40, s29, s11, $0xb8;
	[tilespmem:$0x14000] =	vst v63  }
0x22: {  	s1 =	simm.s32 $0x1CE0  }
0x23: {  	[tilespmem:s17], [sflag:$0x8] =	stream.indirect.gather [hbm4b:s4+s11], $0x40, s1, s11, $0xb8;
	[tilespmem:$0x14000] =	vst v63  }
0x24: {  	s9 =	simm.s32 $0x150  }
0x25: {  	[tilespmem:s18], [sflag:$0x5] =	stream.indirect.gather [hbm4b:s3+s11], $0x40, s9, s11, $0xb8;
	[tilespmem:$0x14000] =	vst v63  }
0x26: {  	s29 =	simm.s32 $0x1D50  }
0x27: {  	[tilespmem:s19], [sflag:$0x9] =	stream.indirect.gather [hbm4b:s4+s11], $0x40, s29, s11, $0xb8;
	[tilespmem:$0x14000] =	vst v63  }
0x28: {  	_ =	swait.ge [sflag:s20], $0x1C00  }
0x29: {  	[sflag:s20] =	ssyncset.done $0x0  }
0x2a: {  	[sflag:s20] =	ssyncadd.s32 $0xFFFFE400  }
0x2b: {  	_ =	swait.ge [sflag:s21], $0x1C00  }
0x2c: {  	[sflag:s21] =	ssyncset.done $0x0  }
0x2d: {  	[sflag:s21] =	ssyncadd.s32 $0xFFFFE400  }
0x2e: {  	_ =	swait.ge [sflag:s22], $0x1C00  }
0x2f: {  	[sflag:s22] =	ssyncset.done $0x0  }
0x30: {  	[sflag:s22] =	ssyncadd.s32 $0xFFFFE400  }
0x31: {  	_ =	swait.ge [sflag:s23], $0x1C00  }
0x32: {  	[sflag:s23] =	ssyncset.done $0x0  }
0x33: {  	[sflag:s23] =	ssyncadd.s32 $0xFFFFE400  }
0x34: {  	_ =	swait.ge [sflag:s24], $0x1C00  }
0x35: {  	[sflag:s24] =	ssyncset.done $0x0  }
0x36: {  	[sflag:s24] =	ssyncadd.s32 $0xFFFFE400  }
0x37: {  	_ =	swait.ge [sflag:s25], $0x1C00  }
0x38: {  	[sflag:s25] =	ssyncset.done $0x0  }
0x39: {  	[sflag:s25] =	ssyncadd.s32 $0xFFFFE400  }
0x3a: {  	_ =	swait.ge [sflag:s26], $0x1C00  }
0x3b: {  	[sflag:s26] =	ssyncset.done $0x0  }
0x3c: {  	[sflag:s26] =	ssyncadd.s32 $0xFFFFE400  }
0x3d: {  	_ =	swait.ge [sflag:s28], $0x1C00  }
0x3e: {  	s0 =	simm.s32 $0xE00;
	s1 =	simm.s32 $0x700;
	[sflag:s28] =	ssyncset.done $0x0  }
.LBB2_2:
0x3f: {  	s29 =	sshra.s32 s1, $0x2  }
0x40: {  	[sflag:s28] =	ssyncadd.s32 $0xFFFFE400;
	s1 =	smov.u32 s0;
	s9 =	sadd.s32 $0x700, s0  }
0x41: {  	[tilespmem:s12], [sflag:$0x2] =	stream.indirect.gather [hbm4b:s3+s11], $0x40, s29, s11, $0xb8;
	[tilespmem:$0x14000] =	vst v63  }
0x42: {  	p0 =	sne.s32 s0, $0x6900;
	s0 =	sadd.s32 $0x1C00, s29  }
0x43: {  	[tilespmem:s13], [sflag:$0x6] =	stream.indirect.gather [hbm4b:s4+s11], $0x40, s0, s11, $0xb8;
	[tilespmem:$0x14000] =	vst v63  }
0x44: {  	s0 =	sadd.s32 $0x70, s29  }
0x45: {  	[tilespmem:s14], [sflag:$0x3] =	stream.indirect.gather [hbm4b:s3+s11], $0x40, s0, s11, $0xb8;
	[tilespmem:$0x14000] =	vst v63  }
0x46: {  	s0 =	sadd.s32 $0x1C70, s29  }
0x47: {  	[tilespmem:s15], [sflag:$0x7] =	stream.indirect.gather [hbm4b:s4+s11], $0x40, s0, s11, $0xb8;
	[tilespmem:$0x14000] =	vst v63  }
0x48: {  	s0 =	sadd.s32 $0xE0, s29  }
0x49: {  	[tilespmem:s16], [sflag:$0x4] =	stream.indirect.gather [hbm4b:s3+s11], $0x40, s0, s11, $0xb8;
	[tilespmem:$0x14000] =	vst v63  }
0x4a: {  	s0 =	sadd.s32 $0x1CE0, s29  }
0x4b: {  	[tilespmem:s17], [sflag:$0x8] =	stream.indirect.gather [hbm4b:s4+s11], $0x40, s0, s11, $0xb8;
	[tilespmem:$0x14000] =	vst v63  }
0x4c: {  	s0 =	sadd.s32 $0x150, s29  }
0x4d: {  	[tilespmem:s18], [sflag:$0x5] =	stream.indirect.gather [hbm4b:s3+s11], $0x40, s0, s11, $0xb8;
	[tilespmem:$0x14000] =	vst v63  }
0x4e: {  	s0 =	sadd.s32 $0x1D50, s29  }
0x4f: {  	[tilespmem:s19], [sflag:$0x9] =	stream.indirect.gather [hbm4b:s4+s11], $0x40, s0, s11, $0xb8;
	[tilespmem:$0x14000] =	vst v63  }
0x50: {  	_ =	swait.ge [sflag:s20], $0x1C00  }
0x51: {  	[sflag:s20] =	ssyncset.done $0x0  }
0x52: {  	[sflag:s20] =	ssyncadd.s32 $0xFFFFE400  }
0x53: {  	_ =	swait.ge [sflag:s21], $0x1C00  }
0x54: {  	[sflag:s21] =	ssyncset.done $0x0  }
0x55: {  	[sflag:s21] =	ssyncadd.s32 $0xFFFFE400  }
0x56: {  	_ =	swait.ge [sflag:s22], $0x1C00  }
0x57: {  	[sflag:s22] =	ssyncset.done $0x0  }
0x58: {  	[sflag:s22] =	ssyncadd.s32 $0xFFFFE400  }
0x59: {  	_ =	swait.ge [sflag:s23], $0x1C00  }
0x5a: {  	[sflag:s23] =	ssyncset.done $0x0  }
0x5b: {  	[sflag:s23] =	ssyncadd.s32 $0xFFFFE400  }
0x5c: {  	_ =	swait.ge [sflag:s24], $0x1C00  }
0x5d: {  	[sflag:s24] =	ssyncset.done $0x0  }
0x5e: {  	[sflag:s24] =	ssyncadd.s32 $0xFFFFE400  }
0x5f: {  	_ =	swait.ge [sflag:s25], $0x1C00  }
0x60: {  	[sflag:s25] =	ssyncset.done $0x0  }
0x61: {  	[sflag:s25] =	ssyncadd.s32 $0xFFFFE400  }
.Ltmp0:
0x62: {  	_ =	swait.ge [sflag:s26], $0x1C00;
	(pc) =	sbr.rel @p0 .LBB2_2-.Ltmp0, $4  }
0x63: {  	[sflag:s26] =	ssyncset.done $0x0  }
0x64: {  	[sflag:s26] =	ssyncadd.s32 $0xFFFFE400  }
0x65: {  	_ =	swait.ge [sflag:s28], $0x1C00  }
0x66: {  	s0 =	smov.u32 s9;
	[sflag:s28] =	ssyncset.done $0x0  }
0x67: {  	s0 =	sshra.s32 s1, $0x2;
	[sflag:s28] =	ssyncadd.s32 $0xFFFFE400  }
0x68: {  	[tilespmem:s12], [sflag:$0x2] =	stream.indirect.gather [hbm4b:s3+s11], $0x40, s0, s11, $0xb8;
	[tilespmem:$0x14000] =	vst v63  }
0x69: {  	s1 =	sadd.s32 $0x1C00, s0  }
0x6a: {  	[tilespmem:s13], [sflag:$0x6] =	stream.indirect.gather [hbm4b:s4+s11], $0x40, s1, s11, $0xb8;
	[tilespmem:$0x14000] =	vst v63  }
0x6b: {  	s9 =	sadd.s32 $0x70, s0  }
0x6c: {  	[tilespmem:s14], [sflag:$0x3] =	stream.indirect.gather [hbm4b:s3+s11], $0x40, s9, s11, $0xb8;
	[tilespmem:$0x14000] =	vst v63  }
0x6d: {  	s29 =	sadd.s32 $0x1C70, s0  }
0x6e: {  	[tilespmem:s15], [sflag:$0x7] =	stream.indirect.gather [hbm4b:s4+s11], $0x40, s29, s11, $0xb8;
	[tilespmem:$0x14000] =	vst v63  }
0x6f: {  	s9 =	sadd.s32 $0xE0, s0  }
0x70: {  	[tilespmem:s16], [sflag:$0x4] =	stream.indirect.gather [hbm4b:s3+s11], $0x40, s9, s11, $0xb8;
	[tilespmem:$0x14000] =	vst v63  }
0x71: {  	s29 =	sadd.s32 $0x1CE0, s0  }
0x72: {  	[tilespmem:s17], [sflag:$0x8] =	stream.indirect.gather [hbm4b:s4+s11], $0x40, s29, s11, $0xb8;
	[tilespmem:$0x14000] =	vst v63  }
0x73: {  	s9 =	sadd.s32 $0x150, s0  }
0x74: {  	[tilespmem:s18], [sflag:$0x5] =	stream.indirect.gather [hbm4b:s3+s11], $0x40, s9, s11, $0xb8;
	[tilespmem:$0x14000] =	vst v63  }
0x75: {  	s0 =	sadd.s32 $0x1D50, s0  }
0x76: {  	[tilespmem:s19], [sflag:$0x9] =	stream.indirect.gather [hbm4b:s4+s11], $0x40, s0, s11, $0xb8;
	[tilespmem:$0x14000] =	vst v63  }
0x77: {  	_ =	swait.ge [sflag:s20], $0x1C00  }
0x78: {  	[sflag:s20] =	ssyncset.done $0x0  }
0x79: {  	[sflag:s20] =	ssyncadd.s32 $0xFFFFE400  }
0x7a: {  	_ =	swait.ge [sflag:s21], $0x1C00  }
0x7b: {  	[sflag:s21] =	ssyncset.done $0x0  }
0x7c: {  	[sflag:s21] =	ssyncadd.s32 $0xFFFFE400  }
0x7d: {  	_ =	swait.ge [sflag:s22], $0x1C00  }
0x7e: {  	[sflag:s22] =	ssyncset.done $0x0  }
0x7f: {  	[sflag:s22] =	ssyncadd.s32 $0xFFFFE400  }
0x80: {  	_ =	swait.ge [sflag:s23], $0x1C00  }
0x81: {  	[sflag:s23] =	ssyncset.done $0x0  }
0x82: {  	[sflag:s23] =	ssyncadd.s32 $0xFFFFE400  }
0x83: {  	_ =	swait.ge [sflag:s24], $0x1C00  }
0x84: {  	[sflag:s24] =	ssyncset.done $0x0  }
0x85: {  	[sflag:s24] =	ssyncadd.s32 $0xFFFFE400  }
0x86: {  	_ =	swait.ge [sflag:s25], $0x1C00  }
0x87: {  	[sflag:s25] =	ssyncset.done $0x0  }
0x88: {  	[sflag:s25] =	ssyncadd.s32 $0xFFFFE400  }
0x89: {  	_ =	swait.ge [sflag:s26], $0x1C00  }
0x8a: {  	[sflag:s26] =	ssyncset.done $0x0  }
0x8b: {  	[sflag:s26] =	ssyncadd.s32 $0xFFFFE400  }
0x8c: {  	s31 =	sadd.s32 $0x1, s31;
	_ =	swait.ge [sflag:s28], $0x1C00  }
0x8d: {  	p0 =	sne.s32 s31, s8;
	[sflag:s28] =	ssyncset.done $0x0  }
.Ltmp1:
0x8e: {  	s29 =	simm.s32 $0x12000;
	[sflag:s28] =	ssyncadd.s32 $0xFFFFE400;
	(pc) =	sbr.rel @p0 .LBB2_1-.Ltmp1, $4  }
0x8f: {  	[hbm4b:s7+s2] =	stream.linear.scatter [tilespmem:s29], [sflag:$0xA], $0x2000, $0x38;
	[tilespmem:$0x14000] =	vst v63  }
0x90: {  	_ =	swait.ge [sflag:s30], $0x2000  }
0x91: {  	[sflag:s30] =	ssyncset.done $0x0  }
0x92: {  	[sflag:s30] =	ssyncadd.s32 $0xFFFFE000  }
0x93: {  	_ =	sfence.sel $0x180000  }
0x94: {  	[bflag:$0x0] =	sbarrier.arrive $0xFFFF  }
0x95: {  	_ =	strace $0x90000047  }
0x96: {  	s0 =	stileid.u32;
	[bflag:$0x2] =	sbarrier.arrive $0xFFFF  }
0x97: {  	p0 =	sne.s32 s0, $0x0;
	s0 =	rddreg [dreg:$0x2]  }
0x98: {  	s0 =	sadd.s32 @!p0 $0x100000, s0  }
0x99: {  	[sflag:s0] =	ssyncadd.tile.s32 @!p0 $0x1;
	_ =	shalt  }
.Lfunc_end2:
_tile_overlayer_lowered:
.L_overlay_start_2:
0x9a: {  	(tag) =	ssettag $0x2  }
0x9b: {  	s0 =	rddreg [dreg:$0x0];
	s2 =	stileid.u32  }
0x9c: {  	s1 =	rddreg [dreg:$0x1];
	p0 =	sne.s32 s2, $0x0  }
0x9d: {  	s3 =	rddreg [dreg:$0x2];
	[bflag:$0x3] =	sbarrier.arrive $0xFFFF;
	s2 =	simm.s32 @!p0 $0x1C0B  }
0x9e: {  	[timem:s3], [sflag:s2] =	dma.local @!p0 [hbm:s0], s1  }
0x9f: {  	s0 =	simm.s32 @!p0 $0xB  }
0xa0: {  	_ =	swait.ge @!p0 [sflag:s0], s1  }
0xa1: {  	s1 =	ssub.s32 @!p0 $0x0, s1;
	[sflag:s0] =	ssyncset.done @!p0 $0x0  }
0xa2: {  	[sflag:s0] =	ssyncadd.s32 @!p0 s1  }
0xa3: {  	[bflag:$0x3] =	sbarrier.arrive $0xFFFF  }
0xa4: {  	_ =	shalt  }

</sc_bundles>
